<compile_context>
chip_gen: v7x
topology: tpu7x:2x2x1
jax: 0.10.2.dev20260603
libtpu: 0.0.44.dev20260713+nightly
codegen_flags: <defaults>
</compile_context>

<pallas_src>
import functools

import jax
import jax.numpy as jnp
from jax import lax
from jax.experimental import pallas as pl
from jax.experimental.pallas import tpu as pltpu
from jax.experimental.pallas import tpu_sc as plsc

_L = 16
_N_ROWS = 4
_N_COLS = 4
_NNZ = 4


@functools.partial(
    pl.kernel,
    out_type=jax.ShapeDtypeStruct((_L,), jnp.float32),
    mesh=plsc.ScalarSubcoreMesh(axis_name="c", num_cores=1),
    compiler_params=pltpu.CompilerParams(needs_layout_passes=False),
    scratch_types=[
        pltpu.SMEM((_N_ROWS + 1,), jnp.int32),
        pltpu.SMEM((_NNZ,), jnp.int32),
        pltpu.SMEM((_NNZ,), jnp.float32),
        pltpu.SMEM((_L,), jnp.float32),
        pltpu.SemaphoreType.DMA,
    ],
)
def _csr_to_dense_sc(crow_hbm, col_hbm, vals_hbm, out_hbm,
                     crow_s, col_s, vals_s, acc_s, sem):
    c1 = pltpu.async_copy(crow_hbm, crow_s, sem)
    c2 = pltpu.async_copy(col_hbm, col_s, sem)
    c3 = pltpu.async_copy(vals_hbm, vals_s, sem)

    for p in range(_L):
        acc_s[p] = 0.0

    c1.wait()
    c2.wait()
    c3.wait()

    for k in range(_NNZ):
        r = jnp.int32(0)
        for j in range(1, _N_ROWS + 1):
            r = r + (crow_s[j] <= k).astype(jnp.int32)
        p = r * _N_COLS + col_s[k]
        acc_s[p] = acc_s[p] + vals_s[k]

    pltpu.sync_copy(acc_s, out_hbm)


def kernel(crow_indices, col_indices, values):
    flat = _csr_to_dense_sc(
        crow_indices.astype(jnp.int32),
        col_indices.astype(jnp.int32),
        values.astype(jnp.float32),
    )
    return flat.reshape(_N_ROWS, _N_COLS)

# --- scband reference (transcript-rebuilt; emitter-appended) ---
"""Pipeline reference for scband-sparse-csr-tensor-op-73710228734296 (READ-ONLY COPY).

The authoritative reference and input builder live on the scoring server;
editing this copy changes nothing except your own understanding.
"""

import jax, jax.numpy as jnp
import numpy as np

N_ROWS = 4
N_COLS = 4
NNZ = 4


def setup_inputs(seed: int = 0) -> dict:
    key = jax.random.key(seed)
    k1, k2 = jax.random.split(key)
    crow_indices = jnp.arange(N_ROWS + 1, dtype=jnp.int64)  # [0,1,2,3,4] -> 1 nnz per row
    col_indices = jax.random.randint(k1, (NNZ,), 0, N_COLS, dtype=jnp.int64)
    values = jax.random.normal(k2, (NNZ,), dtype=jnp.float32)
    return {"crow_indices": crow_indices, "col_indices": col_indices, "values": values}


def reference(crow_indices, col_indices, values):
    # torch.sparse_csr_tensor(crow, col, vals, size=(4,4)) constructs a CSR sparse
    # tensor. The faithful JAX analog is to materialize the equivalent (4,4)
    # matrix from the CSR components.
    nnz = values.shape[0]
    # row id of each nonzero: which row-pointer interval it falls into
    row_ids = jnp.searchsorted(crow_indices, jnp.arange(nnz), side="right") - 1
    dense = jnp.zeros((N_ROWS, N_COLS), dtype=values.dtype).at[row_ids, col_indices].add(values)
    return dense

if __name__ == "__main__":
    import jax
    _d = setup_inputs()
    print(jax.jit(kernel)(*tuple(_d.values())))

</pallas_src>

<mosaic_0001>
#map = affine_map<(d0) -> (0)>
module attributes {stable_mosaic.version = 14 : i64} {
  func.func @_csr_to_dense_sc(%arg0: i32, %arg1: memref<5xi32, #tpu.memory_space<hbm>>, %arg2: memref<4xi32, #tpu.memory_space<hbm>>, %arg3: memref<4xf32, #tpu.memory_space<hbm>>, %arg4: memref<16xf32, #tpu.memory_space<hbm>>, %arg5: memref<5xi32, #tpu.memory_space<smem>>, %arg6: memref<4xi32, #tpu.memory_space<smem>>, %arg7: memref<4xf32, #tpu.memory_space<smem>>, %arg8: memref<16xf32, #tpu.memory_space<smem>>, %arg9: memref<!tpu.dma_semaphore, #tpu.memory_space<semaphore_mem>>) attributes {dimension_semantics = [#tpu.dimension_semantics<core_parallel>], iteration_bounds = array<i64: 1>, scalar_prefetch = 0 : i64, scratch_operands = 5 : i64, tpu.core_type = #tpu.core_type<sc_scalar_subcore>, window_params = [{transform_indices = #map}, {transform_indices = #map}, {transform_indices = #map}, {transform_indices = #map}]} {
    tpu.enqueue_dma source(%arg1 : memref<5xi32, #tpu.memory_space<hbm>>) target(%arg5 : memref<5xi32, #tpu.memory_space<smem>>) target_semaphore(%arg9 : memref<!tpu.dma_semaphore, #tpu.memory_space<semaphore_mem>>)
    tpu.enqueue_dma source(%arg2 : memref<4xi32, #tpu.memory_space<hbm>>) target(%arg6 : memref<4xi32, #tpu.memory_space<smem>>) target_semaphore(%arg9 : memref<!tpu.dma_semaphore, #tpu.memory_space<semaphore_mem>>)
    tpu.enqueue_dma source(%arg3 : memref<4xf32, #tpu.memory_space<hbm>>) target(%arg7 : memref<4xf32, #tpu.memory_space<smem>>) target_semaphore(%arg9 : memref<!tpu.dma_semaphore, #tpu.memory_space<semaphore_mem>>)
    %swap3A = arith.constant 0.000000e+00 : f32
    %swap3A_0 = arith.constant 0 : i32
    %swap3A_1 = arith.index_cast %swap3A_0 : i32 to index
    %swap3A_2 = memref.load %arg8[%swap3A_1] : memref<16xf32, #tpu.memory_space<smem>>
    memref.store %swap3A, %arg8[%swap3A_1] : memref<16xf32, #tpu.memory_space<smem>>
    %swap3A_3 = arith.constant 0.000000e+00 : f32
    %swap3A_4 = arith.constant 1 : i32
    %swap3A_5 = arith.index_cast %swap3A_4 : i32 to index
    %swap3A_6 = memref.load %arg8[%swap3A_5] : memref<16xf32, #tpu.memory_space<smem>>
    memref.store %swap3A_3, %arg8[%swap3A_5] : memref<16xf32, #tpu.memory_space<smem>>
    %swap3A_7 = arith.constant 0.000000e+00 : f32
    %swap3A_8 = arith.constant 2 : i32
    %swap3A_9 = arith.index_cast %swap3A_8 : i32 to index
    %swap3A_10 = memref.load %arg8[%swap3A_9] : memref<16xf32, #tpu.memory_space<smem>>
    memref.store %swap3A_7, %arg8[%swap3A_9] : memref<16xf32, #tpu.memory_space<smem>>
    %swap3A_11 = arith.constant 0.000000e+00 : f32
    %swap3A_12 = arith.constant 3 : i32
    %swap3A_13 = arith.index_cast %swap3A_12 : i32 to index
    %swap3A_14 = memref.load %arg8[%swap3A_13] : memref<16xf32, #tpu.memory_space<smem>>
    memref.store %swap3A_11, %arg8[%swap3A_13] : memref<16xf32, #tpu.memory_space<smem>>
    %swap3A_15 = arith.constant 0.000000e+00 : f32
    %swap3A_16 = arith.constant 4 : i32
    %swap3A_17 = arith.index_cast %swap3A_16 : i32 to index
    %swap3A_18 = memref.load %arg8[%swap3A_17] : memref<16xf32, #tpu.memory_space<smem>>
    memref.store %swap3A_15, %arg8[%swap3A_17] : memref<16xf32, #tpu.memory_space<smem>>
    %swap3A_19 = arith.constant 0.000000e+00 : f32
    %swap3A_20 = arith.constant 5 : i32
    %swap3A_21 = arith.index_cast %swap3A_20 : i32 to index
    %swap3A_22 = memref.load %arg8[%swap3A_21] : memref<16xf32, #tpu.memory_space<smem>>
    memref.store %swap3A_19, %arg8[%swap3A_21] : memref<16xf32, #tpu.memory_space<smem>>
    %swap3A_23 = arith.constant 0.000000e+00 : f32
    %swap3A_24 = arith.constant 6 : i32
    %swap3A_25 = arith.index_cast %swap3A_24 : i32 to index
    %swap3A_26 = memref.load %arg8[%swap3A_25] : memref<16xf32, #tpu.memory_space<smem>>
    memref.store %swap3A_23, %arg8[%swap3A_25] : memref<16xf32, #tpu.memory_space<smem>>
    %swap3A_27 = arith.constant 0.000000e+00 : f32
    %swap3A_28 = arith.constant 7 : i32
    %swap3A_29 = arith.index_cast %swap3A_28 : i32 to index
    %swap3A_30 = memref.load %arg8[%swap3A_29] : memref<16xf32, #tpu.memory_space<smem>>
    memref.store %swap3A_27, %arg8[%swap3A_29] : memref<16xf32, #tpu.memory_space<smem>>
    %swap3A_31 = arith.constant 0.000000e+00 : f32
    %swap3A_32 = arith.constant 8 : i32
    %swap3A_33 = arith.index_cast %swap3A_32 : i32 to index
    %swap3A_34 = memref.load %arg8[%swap3A_33] : memref<16xf32, #tpu.memory_space<smem>>
    memref.store %swap3A_31, %arg8[%swap3A_33] : memref<16xf32, #tpu.memory_space<smem>>
    %swap3A_35 = arith.constant 0.000000e+00 : f32
    %swap3A_36 = arith.constant 9 : i32
    %swap3A_37 = arith.index_cast %swap3A_36 : i32 to index
    %swap3A_38 = memref.load %arg8[%swap3A_37] : memref<16xf32, #tpu.memory_space<smem>>
    memref.store %swap3A_35, %arg8[%swap3A_37] : memref<16xf32, #tpu.memory_space<smem>>
    %swap3A_39 = arith.constant 0.000000e+00 : f32
    %swap3A_40 = arith.constant 10 : i32
    %swap3A_41 = arith.index_cast %swap3A_40 : i32 to index
    %swap3A_42 = memref.load %arg8[%swap3A_41] : memref<16xf32, #tpu.memory_space<smem>>
    memref.store %swap3A_39, %arg8[%swap3A_41] : memref<16xf32, #tpu.memory_space<smem>>
    %swap3A_43 = arith.constant 0.000000e+00 : f32
    %swap3A_44 = arith.constant 11 : i32
    %swap3A_45 = arith.index_cast %swap3A_44 : i32 to index
    %swap3A_46 = memref.load %arg8[%swap3A_45] : memref<16xf32, #tpu.memory_space<smem>>
    memref.store %swap3A_43, %arg8[%swap3A_45] : memref<16xf32, #tpu.memory_space<smem>>
    %swap3A_47 = arith.constant 0.000000e+00 : f32
    %swap3A_48 = arith.constant 12 : i32
    %swap3A_49 = arith.index_cast %swap3A_48 : i32 to index
    %swap3A_50 = memref.load %arg8[%swap3A_49] : memref<16xf32, #tpu.memory_space<smem>>
    memref.store %swap3A_47, %arg8[%swap3A_49] : memref<16xf32, #tpu.memory_space<smem>>
    %swap3A_51 = arith.constant 0.000000e+00 : f32
    %swap3A_52 = arith.constant 13 : i32
    %swap3A_53 = arith.index_cast %swap3A_52 : i32 to index
    %swap3A_54 = memref.load %arg8[%swap3A_53] : memref<16xf32, #tpu.memory_space<smem>>
    memref.store %swap3A_51, %arg8[%swap3A_53] : memref<16xf32, #tpu.memory_space<smem>>
    %swap3A_55 = arith.constant 0.000000e+00 : f32
    %swap3A_56 = arith.constant 14 : i32
    %swap3A_57 = arith.index_cast %swap3A_56 : i32 to index
    %swap3A_58 = memref.load %arg8[%swap3A_57] : memref<16xf32, #tpu.memory_space<smem>>
    memref.store %swap3A_55, %arg8[%swap3A_57] : memref<16xf32, #tpu.memory_space<smem>>
    %swap3A_59 = arith.constant 0.000000e+00 : f32
    %swap3A_60 = arith.constant 15 : i32
    %swap3A_61 = arith.index_cast %swap3A_60 : i32 to index
    %swap3A_62 = memref.load %arg8[%swap3A_61] : memref<16xf32, #tpu.memory_space<smem>>
    memref.store %swap3A_59, %arg8[%swap3A_61] : memref<16xf32, #tpu.memory_space<smem>>
    tpu.wait_dma2 semaphore(%arg9 : memref<!tpu.dma_semaphore, #tpu.memory_space<semaphore_mem>>) src(%arg1 : memref<5xi32, #tpu.memory_space<hbm>>) dst(%arg5 : memref<5xi32, #tpu.memory_space<smem>>)
    tpu.wait_dma2 semaphore(%arg9 : memref<!tpu.dma_semaphore, #tpu.memory_space<semaphore_mem>>) src(%arg2 : memref<4xi32, #tpu.memory_space<hbm>>) dst(%arg6 : memref<4xi32, #tpu.memory_space<smem>>)
    tpu.wait_dma2 semaphore(%arg9 : memref<!tpu.dma_semaphore, #tpu.memory_space<semaphore_mem>>) src(%arg3 : memref<4xf32, #tpu.memory_space<hbm>>) dst(%arg7 : memref<4xf32, #tpu.memory_space<smem>>)
    %get3A = arith.constant 1 : i32
    %get3A_63 = arith.index_cast %get3A : i32 to index
    %get3A_64 = memref.load %arg5[%get3A_63] : memref<5xi32, #tpu.memory_space<smem>>
    %le3A = arith.constant 0 : i32
    %le3A_65 = arith.cmpi sle, %get3A_64, %le3A : i32
    %convert_element_type3A = arith.extui %le3A_65 : i1 to i32
    %add3A = arith.constant 0 : i32
    %add3A_66 = arith.addi %add3A, %convert_element_type3A : i32
    %get3A_67 = arith.constant 2 : i32
    %get3A_68 = arith.index_cast %get3A_67 : i32 to index
    %get3A_69 = memref.load %arg5[%get3A_68] : memref<5xi32, #tpu.memory_space<smem>>
    %le3A_70 = arith.constant 0 : i32
    %le3A_71 = arith.cmpi sle, %get3A_69, %le3A_70 : i32
    %convert_element_type3A_72 = arith.extui %le3A_71 : i1 to i32
    %add3A_73 = arith.addi %add3A_66, %convert_element_type3A_72 : i32
    %get3A_74 = arith.constant 3 : i32
    %get3A_75 = arith.index_cast %get3A_74 : i32 to index
    %get3A_76 = memref.load %arg5[%get3A_75] : memref<5xi32, #tpu.memory_space<smem>>
    %le3A_77 = arith.constant 0 : i32
    %le3A_78 = arith.cmpi sle, %get3A_76, %le3A_77 : i32
    %convert_element_type3A_79 = arith.extui %le3A_78 : i1 to i32
    %add3A_80 = arith.addi %add3A_73, %convert_element_type3A_79 : i32
    %get3A_81 = arith.constant 4 : i32
    %get3A_82 = arith.index_cast %get3A_81 : i32 to index
    %get3A_83 = memref.load %arg5[%get3A_82] : memref<5xi32, #tpu.memory_space<smem>>
    %le3A_84 = arith.constant 0 : i32
    %le3A_85 = arith.cmpi sle, %get3A_83, %le3A_84 : i32
    %convert_element_type3A_86 = arith.extui %le3A_85 : i1 to i32
    %add3A_87 = arith.addi %add3A_80, %convert_element_type3A_86 : i32
    %mul3A = arith.constant 4 : i32
    %mul3A_88 = arith.muli %add3A_87, %mul3A : i32
    %get3A_89 = arith.constant 0 : i32
    %get3A_90 = arith.index_cast %get3A_89 : i32 to index
    %get3A_91 = memref.load %arg6[%get3A_90] : memref<4xi32, #tpu.memory_space<smem>>
    %add3A_92 = arith.addi %mul3A_88, %get3A_91 : i32
    %get3A_93 = arith.index_cast %add3A_92 : i32 to index
    %get3A_94 = memref.load %arg8[%get3A_93] : memref<16xf32, #tpu.memory_space<smem>>
    %get3A_95 = arith.constant 0 : i32
    %get3A_96 = arith.index_cast %get3A_95 : i32 to index
    %get3A_97 = memref.load %arg7[%get3A_96] : memref<4xf32, #tpu.memory_space<smem>>
    %add3A_98 = arith.addf %get3A_94, %get3A_97 : f32
    %swap3A_99 = arith.index_cast %add3A_92 : i32 to index
    %swap3A_100 = memref.load %arg8[%swap3A_99] : memref<16xf32, #tpu.memory_space<smem>>
    memref.store %add3A_98, %arg8[%swap3A_99] : memref<16xf32, #tpu.memory_space<smem>>
    %get3A_101 = arith.constant 1 : i32
    %get3A_102 = arith.index_cast %get3A_101 : i32 to index
    %get3A_103 = memref.load %arg5[%get3A_102] : memref<5xi32, #tpu.memory_space<smem>>
    %le3A_104 = arith.constant 1 : i32
    %le3A_105 = arith.cmpi sle, %get3A_103, %le3A_104 : i32
    %convert_element_type3A_106 = arith.extui %le3A_105 : i1 to i32
    %add3A_107 = arith.constant 0 : i32
    %add3A_108 = arith.addi %add3A_107, %convert_element_type3A_106 : i32
    %get3A_109 = arith.constant 2 : i32
    %get3A_110 = arith.index_cast %get3A_109 : i32 to index
    %get3A_111 = memref.load %arg5[%get3A_110] : memref<5xi32, #tpu.memory_space<smem>>
    %le3A_112 = arith.constant 1 : i32
    %le3A_113 = arith.cmpi sle, %get3A_111, %le3A_112 : i32
    %convert_element_type3A_114 = arith.extui %le3A_113 : i1 to i32
    %add3A_115 = arith.addi %add3A_108, %convert_element_type3A_114 : i32
    %get3A_116 = arith.constant 3 : i32
    %get3A_117 = arith.index_cast %get3A_116 : i32 to index
    %get3A_118 = memref.load %arg5[%get3A_117] : memref<5xi32, #tpu.memory_space<smem>>
    %le3A_119 = arith.constant 1 : i32
    %le3A_120 = arith.cmpi sle, %get3A_118, %le3A_119 : i32
    %convert_element_type3A_121 = arith.extui %le3A_120 : i1 to i32
    %add3A_122 = arith.addi %add3A_115, %convert_element_type3A_121 : i32
    %get3A_123 = arith.constant 4 : i32
    %get3A_124 = arith.index_cast %get3A_123 : i32 to index
    %get3A_125 = memref.load %arg5[%get3A_124] : memref<5xi32, #tpu.memory_space<smem>>
    %le3A_126 = arith.constant 1 : i32
    %le3A_127 = arith.cmpi sle, %get3A_125, %le3A_126 : i32
    %convert_element_type3A_128 = arith.extui %le3A_127 : i1 to i32
    %add3A_129 = arith.addi %add3A_122, %convert_element_type3A_128 : i32
    %mul3A_130 = arith.constant 4 : i32
    %mul3A_131 = arith.muli %add3A_129, %mul3A_130 : i32
    %get3A_132 = arith.constant 1 : i32
    %get3A_133 = arith.index_cast %get3A_132 : i32 to index
    %get3A_134 = memref.load %arg6[%get3A_133] : memref<4xi32, #tpu.memory_space<smem>>
    %add3A_135 = arith.addi %mul3A_131, %get3A_134 : i32
    %get3A_136 = arith.index_cast %add3A_135 : i32 to index
    %get3A_137 = memref.load %arg8[%get3A_136] : memref<16xf32, #tpu.memory_space<smem>>
    %get3A_138 = arith.constant 1 : i32
    %get3A_139 = arith.index_cast %get3A_138 : i32 to index
    %get3A_140 = memref.load %arg7[%get3A_139] : memref<4xf32, #tpu.memory_space<smem>>
    %add3A_141 = arith.addf %get3A_137, %get3A_140 : f32
    %swap3A_142 = arith.index_cast %add3A_135 : i32 to index
    %swap3A_143 = memref.load %arg8[%swap3A_142] : memref<16xf32, #tpu.memory_space<smem>>
    memref.store %add3A_141, %arg8[%swap3A_142] : memref<16xf32, #tpu.memory_space<smem>>
    %get3A_144 = arith.constant 1 : i32
    %get3A_145 = arith.index_cast %get3A_144 : i32 to index
    %get3A_146 = memref.load %arg5[%get3A_145] : memref<5xi32, #tpu.memory_space<smem>>
    %le3A_147 = arith.constant 2 : i32
    %le3A_148 = arith.cmpi sle, %get3A_146, %le3A_147 : i32
    %convert_element_type3A_149 = arith.extui %le3A_148 : i1 to i32
    %add3A_150 = arith.constant 0 : i32
    %add3A_151 = arith.addi %add3A_150, %convert_element_type3A_149 : i32
    %get3A_152 = arith.constant 2 : i32
    %get3A_153 = arith.index_cast %get3A_152 : i32 to index
    %get3A_154 = memref.load %arg5[%get3A_153] : memref<5xi32, #tpu.memory_space<smem>>
    %le3A_155 = arith.constant 2 : i32
    %le3A_156 = arith.cmpi sle, %get3A_154, %le3A_155 : i32
    %convert_element_type3A_157 = arith.extui %le3A_156 : i1 to i32
    %add3A_158 = arith.addi %add3A_151, %convert_element_type3A_157 : i32
    %get3A_159 = arith.constant 3 : i32
    %get3A_160 = arith.index_cast %get3A_159 : i32 to index
    %get3A_161 = memref.load %arg5[%get3A_160] : memref<5xi32, #tpu.memory_space<smem>>
    %le3A_162 = arith.constant 2 : i32
    %le3A_163 = arith.cmpi sle, %get3A_161, %le3A_162 : i32
    %convert_element_type3A_164 = arith.extui %le3A_163 : i1 to i32
    %add3A_165 = arith.addi %add3A_158, %convert_element_type3A_164 : i32
    %get3A_166 = arith.constant 4 : i32
    %get3A_167 = arith.index_cast %get3A_166 : i32 to index
    %get3A_168 = memref.load %arg5[%get3A_167] : memref<5xi32, #tpu.memory_space<smem>>
    %le3A_169 = arith.constant 2 : i32
    %le3A_170 = arith.cmpi sle, %get3A_168, %le3A_169 : i32
    %convert_element_type3A_171 = arith.extui %le3A_170 : i1 to i32
    %add3A_172 = arith.addi %add3A_165, %convert_element_type3A_171 : i32
    %mul3A_173 = arith.constant 4 : i32
    %mul3A_174 = arith.muli %add3A_172, %mul3A_173 : i32
    %get3A_175 = arith.constant 2 : i32
    %get3A_176 = arith.index_cast %get3A_175 : i32 to index
    %get3A_177 = memref.load %arg6[%get3A_176] : memref<4xi32, #tpu.memory_space<smem>>
    %add3A_178 = arith.addi %mul3A_174, %get3A_177 : i32
    %get3A_179 = arith.index_cast %add3A_178 : i32 to index
    %get3A_180 = memref.load %arg8[%get3A_179] : memref<16xf32, #tpu.memory_space<smem>>
    %get3A_181 = arith.constant 2 : i32
    %get3A_182 = arith.index_cast %get3A_181 : i32 to index
    %get3A_183 = memref.load %arg7[%get3A_182] : memref<4xf32, #tpu.memory_space<smem>>
    %add3A_184 = arith.addf %get3A_180, %get3A_183 : f32
    %swap3A_185 = arith.index_cast %add3A_178 : i32 to index
    %swap3A_186 = memref.load %arg8[%swap3A_185] : memref<16xf32, #tpu.memory_space<smem>>
    memref.store %add3A_184, %arg8[%swap3A_185] : memref<16xf32, #tpu.memory_space<smem>>
    %get3A_187 = arith.constant 1 : i32
    %get3A_188 = arith.index_cast %get3A_187 : i32 to index
    %get3A_189 = memref.load %arg5[%get3A_188] : memref<5xi32, #tpu.memory_space<smem>>
    %le3A_190 = arith.constant 3 : i32
    %le3A_191 = arith.cmpi sle, %get3A_189, %le3A_190 : i32
    %convert_element_type3A_192 = arith.extui %le3A_191 : i1 to i32
    %add3A_193 = arith.constant 0 : i32
    %add3A_194 = arith.addi %add3A_193, %convert_element_type3A_192 : i32
    %get3A_195 = arith.constant 2 : i32
    %get3A_196 = arith.index_cast %get3A_195 : i32 to index
    %get3A_197 = memref.load %arg5[%get3A_196] : memref<5xi32, #tpu.memory_space<smem>>
    %le3A_198 = arith.constant 3 : i32
    %le3A_199 = arith.cmpi sle, %get3A_197, %le3A_198 : i32
    %convert_element_type3A_200 = arith.extui %le3A_199 : i1 to i32
    %add3A_201 = arith.addi %add3A_194, %convert_element_type3A_200 : i32
    %get3A_202 = arith.constant 3 : i32
    %get3A_203 = arith.index_cast %get3A_202 : i32 to index
    %get3A_204 = memref.load %arg5[%get3A_203] : memref<5xi32, #tpu.memory_space<smem>>
    %le3A_205 = arith.constant 3 : i32
    %le3A_206 = arith.cmpi sle, %get3A_204, %le3A_205 : i32
    %convert_element_type3A_207 = arith.extui %le3A_206 : i1 to i32
    %add3A_208 = arith.addi %add3A_201, %convert_element_type3A_207 : i32
    %get3A_209 = arith.constant 4 : i32
    %get3A_210 = arith.index_cast %get3A_209 : i32 to index
    %get3A_211 = memref.load %arg5[%get3A_210] : memref<5xi32, #tpu.memory_space<smem>>
    %le3A_212 = arith.constant 3 : i32
    %le3A_213 = arith.cmpi sle, %get3A_211, %le3A_212 : i32
    %convert_element_type3A_214 = arith.extui %le3A_213 : i1 to i32
    %add3A_215 = arith.addi %add3A_208, %convert_element_type3A_214 : i32
    %mul3A_216 = arith.constant 4 : i32
    %mul3A_217 = arith.muli %add3A_215, %mul3A_216 : i32
    %get3A_218 = arith.constant 3 : i32
    %get3A_219 = arith.index_cast %get3A_218 : i32 to index
    %get3A_220 = memref.load %arg6[%get3A_219] : memref<4xi32, #tpu.memory_space<smem>>
    %add3A_221 = arith.addi %mul3A_217, %get3A_220 : i32
    %get3A_222 = arith.index_cast %add3A_221 : i32 to index
    %get3A_223 = memref.load %arg8[%get3A_222] : memref<16xf32, #tpu.memory_space<smem>>
    %get3A_224 = arith.constant 3 : i32
    %get3A_225 = arith.index_cast %get3A_224 : i32 to index
    %get3A_226 = memref.load %arg7[%get3A_225] : memref<4xf32, #tpu.memory_space<smem>>
    %add3A_227 = arith.addf %get3A_223, %get3A_226 : f32
    %swap3A_228 = arith.index_cast %add3A_221 : i32 to index
    %swap3A_229 = memref.load %arg8[%swap3A_228] : memref<16xf32, #tpu.memory_space<smem>>
    memref.store %add3A_227, %arg8[%swap3A_228] : memref<16xf32, #tpu.memory_space<smem>>
    "tpu.region"() ({
      %run_scoped3A = tpu.sem_alloc : memref<!tpu.dma_semaphore, #tpu.memory_space<semaphore_mem>>
      tpu.enqueue_dma source(%arg8 : memref<16xf32, #tpu.memory_space<smem>>) target(%arg4 : memref<16xf32, #tpu.memory_space<hbm>>) target_semaphore(%run_scoped3A : memref<!tpu.dma_semaphore, #tpu.memory_space<semaphore_mem>>)
      tpu.wait_dma2 semaphore(%run_scoped3A : memref<!tpu.dma_semaphore, #tpu.memory_space<semaphore_mem>>) src(%arg8 : memref<16xf32, #tpu.memory_space<smem>>) dst(%arg4 : memref<16xf32, #tpu.memory_space<hbm>>)
      tpu.yield
    }) : () -> ()
    return
  }
}

</mosaic_0001>

<sc_bundles>
// kernel: kernel.3.cloned.1.call-start
scs
__scs_entry_jumppad:
0x0: {  	(pc) =	sbr.rel $0x88, $3  }
0x1: {  	(tag) =	ssettag $0x0;
	lr =	simm.s32 $0x1  }
0x2: {  	[smem:$0x3F9E] =	sst lr;
	_ =	strace $0xD0000000  }
0x3: {  	_ = 	snop  }
0x4: {  	_ = 	snop  }
0x5: {  	_ = 	snop  }
0x6: {  	_ = 	snop  }
0x7: {  	_ = 	snop  }
__scs_overlays_trampoline_lowered:
0x8: {  	[smem:$0x3FAD] =	sst s0  }
0x9: {  	[smem:$0x3FAE] =	sst s1  }
0xa: {  	[smem:$0x3FAF] =	sst s2  }
0xb: {  	[smem:$0x3FB0] =	sst s3  }
0xc: {  	[smem:$0x3FB1] =	sst s4  }
0xd: {  	[smem:$0x3FB2] =	sst s5  }
0xe: {  	[smem:$0x3FB3] =	sst s6  }
0xf: {  	[smem:$0x3FB4] =	sst s7  }
0x10: {  	[smem:$0x3FB5] =	sst s8  }
0x11: {  	[smem:$0x3FB6] =	sst s9;
	s0 =	simm.s32 @!p0 $0x0  }
0x12: {  	s1 =	sld [smem:$0x3F9C];
	s0 =	simm.s32 @p0 $0x1  }
0x13: {  	[smem:$0x3FB7] =	sst s0;
	s0 =	simm.s32 @!p1 $0x0  }
0x14: {  	s2 =	sld [smem:$0x3F9B];
	s0 =	simm.s32 @p1 $0x1  }
0x15: {  	[smem:$0x3FB8] =	sst s0;
	s0 =	simm.s32 @!p2 $0x0  }
0x16: {  	s3 =	sld [smem:$0x3FDB];
	s0 =	simm.s32 @p2 $0x1  }
0x17: {  	s4 =	simm.s32 $0x1BF5;
	[smem:$0x3FBA] =	sst s0  }
0x18: {  	s0 =	sld [smem:$0x3F9D];
	_ =	swait.ge [sflag:s4], $0x0  }
0x19: {  	s7 =	sld [smem:$0x3F9E]  }
0x1a: {  	s8 =	sadd.s32 $0xFFFFE003, lr  }
0x1b: {  	s9 =	sadd.s32 $0xFFFFFEF7, lr;
	s5 =	simm.s32 $0xFFFFFFFF;
	p2 =	slt.u32 s8, $0xFFFFF086  }
0x1c: {  	p1 =	slt.u32 s9, $0xF7A;
	s5 =	simm.s32 @!p2 $0x0  }
0x1d: {  	s5 =	simm.s32 @p1 $0x1;
	p0 =	seq.s32 s7, s2  }
0x1e: {  	s7 =	smul.u32 @!p0 $0xF7A, s2;
	p2 =	seq.s32 @!p0 s5, $0x0  }
0x1f: {  	s9 =	smul.u32 $0xF7A, s1;
	s8 =	simm.s32 @!p0 $0x1BF5;
	p2 =	por !p2, p0  }
0x20: {  	[sflag:s8] =	ssyncset.s32 @!p0 $0xFFFFF086;
	s6 =	sadd.s32 @!p0 s3, s7;
	s7 =	simm.s32 @!p0 $0x108  }
0x21: {  	s3 =	sadd.s32 s3, s9;
	s6 =	sadd.s32 @!p0 $0x88, s6;
	s7 =	simm.s32 @p2 $0x1082  }
0x22: {  	[simem:s7], [sflag:s8] =	dma.local @!p0 [hbm:s6], $0xF7A  }
0x23: {  	s9 =	sor.u32 $0xD0000000, s2;
	s6 =	simm.s32 $0x108;
	_ =	swait.ge @!p0 [sflag:s8], $0x0  }
0x24: {  	s3 =	sadd.s32 $0x88, s3;
	s6 =	simm.s32 @!p1 $0x1082;
	[sflag:s4] =	ssyncset.s32 $0xFFFFF086  }
0x25: {  	[simem:s6], [sflag:s4] =	dma.local [hbm:s3], $0xF7A  }
0x26: {  	[smem:$0x3F9E] =	sst s1;
	(tag) =	ssettag s2;
	_ =	strace s9  }
0x27: {  	s1 =	sld [smem:$0x3FAE]  }
0x28: {  	s2 =	sld [smem:$0x3FAF]  }
0x29: {  	s4 =	sld [smem:$0x3FB1]  }
0x2a: {  	p0 =	seq.s32 s5, $0x0;
	s5 =	sld [smem:$0x3FB2]  }
0x2b: {  	s6 =	sld [smem:$0x3FB3]  }
0x2c: {  	s7 =	sld [smem:$0x3FB4]  }
0x2d: {  	s3 =	simm.s32 $0x108;
	s8 =	sld [smem:$0x3FB5]  }
0x2e: {  	s3 =	simm.s32 @!p0 $0x1082;
	s9 =	sld [smem:$0x3FB6]  }
0x2f: {  	lr =	sadd.s32 s0, s3;
	s0 =	sld [smem:$0x3FAD]  }
0x30: {  	s3 =	sld [smem:$0x3FB0]  }
0x31: {  	[smem:$0x3FB9] =	sst s10  }
0x32: {  	s10 =	sld [smem:$0x3FB7];
	_ =	sdelay $0x3  }
0x33: {  	p0 =	seq.s32 s10, $0x1;
	s10 =	sld [smem:$0x3FB9];
	_ =	sdelay $0x3  }
0x34: {  	[smem:$0x3FB9] =	sst s10  }
0x35: {  	s10 =	sld [smem:$0x3FB8];
	_ =	sdelay $0x3  }
0x36: {  	p1 =	seq.s32 s10, $0x1;
	s10 =	sld [smem:$0x3FB9];
	_ =	sdelay $0x3  }
0x37: {  	[smem:$0x3FB9] =	sst s10  }
0x38: {  	s10 =	sld [smem:$0x3FBA]  }
0x39: {  	_ = 	snop;
	(pc) =	sbr.ind lr, $3  }
0x3a: {  	_ = 	snop  }
0x3b: {  	_ = 	snop  }
0x3c: {  	p2 =	seq.s32 s10, $0x1;
	s10 =	sld [smem:$0x3FB9]  }
0x3d: {  	_ =	shalt  }
0x3e: {  	_ =	shalt  }
0x3f: {  	_ =	shalt  }
0x40: {  	_ =	shalt  }
0x41: {  	_ =	shalt  }
0x42: {  	_ =	shalt  }
0x43: {  	_ =	shalt  }
0x44: {  	_ =	shalt  }
0x45: {  	_ =	shalt  }
0x46: {  	_ =	shalt  }
0x47: {  	_ =	shalt  }
0x48: {  	_ =	shalt  }
0x49: {  	_ =	shalt  }
0x4a: {  	_ =	shalt  }
0x4b: {  	_ =	shalt  }
0x4c: {  	_ =	shalt  }
0x4d: {  	_ =	shalt  }
0x4e: {  	_ =	shalt  }
0x4f: {  	_ =	shalt  }
0x50: {  	_ =	shalt  }
0x51: {  	_ =	shalt  }
0x52: {  	_ =	shalt  }
0x53: {  	_ =	shalt  }
0x54: {  	_ =	shalt  }
0x55: {  	_ =	shalt  }
0x56: {  	_ =	shalt  }
0x57: {  	_ =	shalt  }
0x58: {  	_ =	shalt  }
0x59: {  	_ =	shalt  }
0x5a: {  	_ =	shalt  }
0x5b: {  	_ =	shalt  }
0x5c: {  	_ =	shalt  }
0x5d: {  	_ =	shalt  }
0x5e: {  	_ =	shalt  }
0x5f: {  	_ =	shalt  }
0x60: {  	_ =	shalt  }
0x61: {  	_ =	shalt  }
0x62: {  	_ =	shalt  }
0x63: {  	_ =	shalt  }
0x64: {  	_ =	shalt  }
0x65: {  	_ =	shalt  }
0x66: {  	_ =	shalt  }
0x67: {  	_ =	shalt  }
0x68: {  	_ =	shalt  }
0x69: {  	_ =	shalt  }
0x6a: {  	_ =	shalt  }
0x6b: {  	_ =	shalt  }
0x6c: {  	_ =	shalt  }
0x6d: {  	_ =	shalt  }
0x6e: {  	_ =	shalt  }
0x6f: {  	_ =	shalt  }
0x70: {  	_ =	shalt  }
0x71: {  	_ =	shalt  }
0x72: {  	_ =	shalt  }
0x73: {  	_ =	shalt  }
0x74: {  	_ =	shalt  }
0x75: {  	_ =	shalt  }
0x76: {  	_ =	shalt  }
0x77: {  	_ =	shalt  }
0x78: {  	_ =	shalt  }
0x79: {  	_ =	shalt  }
0x7a: {  	_ =	shalt  }
0x7b: {  	_ =	shalt  }
0x7c: {  	_ =	shalt  }
0x7d: {  	_ =	shalt  }
0x7e: {  	_ =	shalt  }
0x7f: {  	_ =	shalt  }
0x80: {  	_ =	shalt  }
0x81: {  	_ =	shalt  }
0x82: {  	_ =	shalt  }
0x83: {  	_ =	shalt  }
0x84: {  	_ =	shalt  }
0x85: {  	_ =	shalt  }
0x86: {  	_ =	shalt  }
0x87: {  	_ =	shalt  }
.Lfunc_end0:
.L_simem_size_0:
called_computation_lowered:
.L_overlay_start_0:
0x88: {  	s0 =	sld [smem:$0x3FD9]  }
0x89: {  	s1 =	sld [smem:$0x3FFE];
	_ =	sdelay $0x3  }
0x8a: {  	s0 =	sadd.s32 s1, s0  }
0x8b: {  	[smem:$0x3FC5] =	sst s0  }
0x8c: {  	_ = 	snop  }
0x8d: {  	s25 =	sld [smem:$0x3FC9]  }
0x8e: {  	s2 =	sld [smem:$0x3FC8]  }
0x8f: {  	s3 =	sld [smem:$0x3FC7];
	(tm) =	ssettm $0x1  }
0x90: {  	s26 =	sld [smem:$0x3FFB];
	_ =	sdelay $0x3  }
0x91: {  	_ =	strace s26  }
0x92: {  	s0 =	sld [smem:$0x3FFC];
	_ =	sdelay $0x3  }
0x93: {  	_ =	strace s0  }
0x94: {  	s0 =	sld [smem:$0x3FFD];
	_ =	sdelay $0x3  }
0x95: {  	_ =	strace s0  }
0x96: {  	s28 =	simm.s32 $0x1B8B;
	_ =	strace $0x8FFFFFFF  }
0x97: {  	_ =	swait.ge [sflag:s28], $0x1  }
0x98: {  	[sflag:s28] =	ssyncset.done $0x0  }
0x99: {  	s4 =	simm.s32 $0x1B8E;
	[sflag:s28] =	ssyncadd.s32 $0xFFFFFFFF  }
0x9a: {  	s30 =	simm.s32 $0x9;
	s5 =	simm.s32 $0x10;
	[smem:$0x3FD2] =	sst s4  }
0x9b: {  	s31 =	simm.s32 $0x90;
	s29 =	sld [smem:$0x3FFE];
	_ =	strace $0x80000046  }
0x9c: {  	[smem:s5], [sflag:s30] =	dma.local [hbm:s25], $0x10  }
0x9d: {  	[smem:s31], [sflag:s30] =	dma.local [hbm:s2], $0x10  }
0x9e: {  	s2 =	simm.s32 $0x110  }
0x9f: {  	[smem:s2], [sflag:s30] =	dma.local [hbm:s3], $0x10  }
0xa0: {  	s3 =	simm.s32 $0x0  }
0xa1: {  	[smem:$0x190] =	sst s3  }
0xa2: {  	[smem:$0x191] =	sst s3  }
0xa3: {  	[smem:$0x192] =	sst s3  }
0xa4: {  	[smem:$0x193] =	sst s3  }
0xa5: {  	[smem:$0x194] =	sst s3  }
0xa6: {  	[smem:$0x195] =	sst s3  }
0xa7: {  	[smem:$0x196] =	sst s3  }
0xa8: {  	[smem:$0x197] =	sst s3  }
0xa9: {  	[smem:$0x198] =	sst s3  }
0xaa: {  	[smem:$0x199] =	sst s3  }
0xab: {  	[smem:$0x19A] =	sst s3  }
0xac: {  	[smem:$0x19B] =	sst s3  }
0xad: {  	[smem:$0x19C] =	sst s3  }
0xae: {  	[smem:$0x19D] =	sst s3  }
0xaf: {  	[smem:$0x19E] =	sst s3  }
0xb0: {  	[smem:$0x19F] =	sst s3  }
0xb1: {  	_ =	swait.ge [sflag:s30], $0x10  }
0xb2: {  	[sflag:s30] =	ssyncset.done $0x0  }
0xb3: {  	[sflag:s30] =	ssyncadd.s32 $0xFFFFFFF0;
	_ =	sdelay $0x2  }
0xb4: {  	_ =	swait.ge [sflag:s30], $0x10  }
0xb5: {  	[sflag:s30] =	ssyncset.done $0x0  }
0xb6: {  	[sflag:s30] =	ssyncadd.s32 $0xFFFFFFF0;
	_ =	sdelay $0x2  }
0xb7: {  	_ =	swait.ge [sflag:s30], $0x10  }
0xb8: {  	[sflag:s30] =	ssyncset.done $0x0  }
0xb9: {  	[sflag:s30] =	ssyncadd.s32 $0xFFFFFFF0  }
0xba: {  	s5 =	sld [smem:$0x11]  }
0xbb: {  	s6 =	sld [smem:$0x12];
	_ =	sdelay $0x1  }
0xbc: {  	s7 =	sld [smem:$0x13]  }
0xbd: {  	s1 =	simm.s32 $0x1;
	s4 =	sld [smem:$0x14];
	p0 =	slt.s32 s5, $0x1  }
0xbe: {  	s2 =	simm.s32 $0x1;
	s1 =	simm.s32 @!p0 $0x0;
	p0 =	slt.s32 s6, $0x1  }
0xbf: {  	s3 =	simm.s32 $0x1;
	s2 =	simm.s32 @!p0 $0x0  }
0xc0: {  	s8 =	sld [smem:$0x90];
	p0 =	slt.s32 s7, $0x1;
	s1 =	sadd.s32 s1, s2  }
0xc1: {  	s3 =	simm.s32 @!p0 $0x0;
	p0 =	slt.s32 s4, $0x1;
	s2 =	simm.s32 $0x1  }
0xc2: {  	s1 =	sadd.s32 s3, s1;
	s2 =	simm.s32 @!p0 $0x0  }
0xc3: {  	s1 =	sadd.s32 s2, s1  }
0xc4: {  	s1 =	sshll.u32 s1, $0x2  }
0xc5: {  	s10 =	sld [smem:$0x110];
	s1 =	sadd.s32 s8, s1  }
0xc6: {  	s9 =	sld [smem:s1+$0x190];
	_ =	sdelay $0x3  }
0xc7: {  	s2 =	sadd.f32 s10, s9  }
0xc8: {  	s1 =	sadd.s32 $0x190, s1  }
0xc9: {  	[smem:s1] =	sst s2  }
0xca: {  	s1 =	sld [smem:$0x11]  }
0xcb: {  	s2 =	sld [smem:$0x12];
	_ =	sdelay $0x1  }
0xcc: {  	s11 =	sld [smem:$0x13]  }
0xcd: {  	s12 =	sld [smem:$0x14];
	p0 =	slt.s32 s1, $0x2;
	s1 =	simm.s32 $0x1  }
0xce: {  	s1 =	simm.s32 @!p0 $0x0;
	p0 =	slt.s32 s2, $0x2;
	s2 =	simm.s32 $0x1  }
0xcf: {  	s3 =	simm.s32 $0x1;
	s2 =	simm.s32 @!p0 $0x0  }
0xd0: {  	s13 =	sld [smem:$0x91];
	p0 =	slt.s32 s11, $0x2;
	s1 =	sadd.s32 s1, s2  }
0xd1: {  	s3 =	simm.s32 @!p0 $0x0;
	p0 =	slt.s32 s12, $0x2;
	s2 =	simm.s32 $0x1  }
0xd2: {  	s1 =	sadd.s32 s3, s1;
	s2 =	simm.s32 @!p0 $0x0  }
0xd3: {  	s1 =	sadd.s32 s2, s1  }
0xd4: {  	s1 =	sshll.u32 s1, $0x2  }
0xd5: {  	s15 =	sld [smem:$0x111];
	s1 =	sadd.s32 s13, s1  }
0xd6: {  	s14 =	sld [smem:s1+$0x190];
	_ =	sdelay $0x3  }
0xd7: {  	s2 =	sadd.f32 s15, s14  }
0xd8: {  	s1 =	sadd.s32 $0x190, s1  }
0xd9: {  	[smem:s1] =	sst s2  }
0xda: {  	s1 =	sld [smem:$0x11]  }
0xdb: {  	s2 =	sld [smem:$0x12];
	_ =	sdelay $0x1  }
0xdc: {  	s16 =	sld [smem:$0x13]  }
0xdd: {  	s17 =	sld [smem:$0x14];
	p0 =	slt.s32 s1, $0x3;
	s1 =	simm.s32 $0x1  }
0xde: {  	s1 =	simm.s32 @!p0 $0x0;
	p0 =	slt.s32 s2, $0x3;
	s2 =	simm.s32 $0x1  }
0xdf: {  	s3 =	simm.s32 $0x1;
	s2 =	simm.s32 @!p0 $0x0  }
0xe0: {  	s18 =	sld [smem:$0x92];
	p0 =	slt.s32 s16, $0x3;
	s1 =	sadd.s32 s1, s2  }
0xe1: {  	s3 =	simm.s32 @!p0 $0x0;
	p0 =	slt.s32 s17, $0x3;
	s2 =	simm.s32 $0x1  }
0xe2: {  	s1 =	sadd.s32 s3, s1;
	s2 =	simm.s32 @!p0 $0x0  }
0xe3: {  	s1 =	sadd.s32 s2, s1  }
0xe4: {  	s1 =	sshll.u32 s1, $0x2  }
0xe5: {  	s20 =	sld [smem:$0x112];
	s1 =	sadd.s32 s18, s1  }
0xe6: {  	s19 =	sld [smem:s1+$0x190];
	_ =	sdelay $0x3  }
0xe7: {  	s2 =	sadd.f32 s20, s19  }
0xe8: {  	s1 =	sadd.s32 $0x190, s1  }
0xe9: {  	[smem:s1] =	sst s2  }
0xea: {  	s1 =	sld [smem:$0x11]  }
0xeb: {  	s2 =	sld [smem:$0x12]  }
0xec: {  	s21 =	sld [smem:$0x13]  }
0xed: {  	s5 =	simm.s32 $0x1;
	s22 =	sld [smem:$0x14]  }
0xee: {  	s4 =	simm.s32 $0x1;
	s3 =	simm.s32 $0x1;
	s23 =	sld [smem:$0x93]  }
0xef: {  	p0 =	slt.s32 s1, $0x4;
	p1 =	slt.s32 s2, $0x4;
	s2 =	simm.s32 $0x1  }
0xf0: {  	s4 =	simm.s32 @!p0 $0x0;
	s2 =	simm.s32 @!p1 $0x0;
	p0 =	slt.s32 s21, $0x4  }
0xf1: {  	s2 =	sadd.s32 s4, s2;
	s3 =	simm.s32 @!p0 $0x0;
	p0 =	slt.s32 s22, $0x4  }
0xf2: {  	s2 =	sadd.s32 s3, s2;
	s5 =	simm.s32 @!p0 $0x0  }
0xf3: {  	s2 =	sadd.s32 s5, s2  }
0xf4: {  	s2 =	sshll.u32 s2, $0x2  }
0xf5: {  	s24 =	sld [smem:$0x113];
	s1 =	sadd.s32 s23, s2  }
0xf6: {  	s2 =	sld [smem:s1+$0x190];
	_ =	sdelay $0x3  }
0xf7: {  	s2 =	sadd.f32 s24, s2  }
0xf8: {  	s26 =	simm.s32 $0xA;
	s1 =	sadd.s32 $0x190, s1  }
0xf9: {  	s0 =	sadd.s32 $0x400, s29;
	s25 =	simm.s32 $0x190;
	[smem:s1] =	sst s2  }
0xfa: {  	[hbm:s0], [sflag:s26] =	dma.local [smem:s25], $0x10  }
0xfb: {  	_ =	swait.ge [sflag:s26], $0x10  }
0xfc: {  	[sflag:s26] =	ssyncset.done $0x0  }
0xfd: {  	[sflag:s26] =	ssyncadd.s32 $0xFFFFFFF0  }
0xfe: {  	_ =	strace $0x90000046  }
0xff: {  	_ =	sfence  }
0x100: {  	s28 =	sld [smem:$0x0];
	_ =	sdelay $0x1  }
0x101: {  	s29 =	srdreg.scid  }
0x102: {  	s31 =	sshrl.u32 s29, $0x2;
	s30 =	sshll.u32 s29, $0xD  }
0x103: {  	s1 =	sand.u32 $0x1, s29;
	s2 =	sand.u32 $0x4000, s30;
	s0 =	sadd.s32 s31, s28  }
0x104: {  	s1 =	sor.u32 s2, s1;
	s0 =	sshll.u32 s0, $0x11  }
0x105: {  	s0 =	sor.u32 s0, s1  }
0x106: {  	s0 =	sadd.s32 $0x8F2B, s0;
	(pc) =	sbr.abs _section_cstart, $3  }
0x107: {  	[sflag:s0] =	ssyncadd.remote.s32 $0x1  }
0x108: {  	_ =	strace $0x9FFFFFFF  }
0x109: {  	(tm) =	ssettm $0x7FFFFFFF  }

</sc_bundles>
